<compile_context>
chip_gen: v7x
topology: tpu7x:2x2x1
jax: 0.10.2.dev20260603
libtpu: 0.0.44.dev20260713+nightly
codegen_flags: <defaults>
</compile_context>

<pallas_src>
import jax
import jax.numpy as jnp
from jax import lax
from jax.experimental import pallas as pl
from jax.experimental.pallas import tpu as pltpu
from jax.experimental.pallas import tpu_sc as plsc

CELL_N = 4096
GENE_N = 256
N_FRAG = 1048576
D_EMB = 64
NSEG = CELL_N * GENE_N

FRAG_PER_ROW = 128
N_ROW = N_FRAG // FRAG_PER_ROW

F_BLK = 16384
P_BLK = F_BLK // 2
R_BLK = F_BLK // FRAG_PER_ROW

NC = 2
NS = 16
NW = NC * NS
BIN_PER_W = NSEG // NW
TRASH = BIN_PER_W
CHUNK = 16384


def _matvec(e_t, w2, m_mask, g_sum):

    def body(x_ref, w_ref, m_ref, g_ref, o_ref):
        y = jax.lax.dot_general(x_ref[...], w_ref[...],
                                (((0,), (0,)), ((), ())),
                                preferred_element_type=jnp.float32)
        o_ref[...] = jnp.dot(g_ref[...], y * m_ref[...],
                             preferred_element_type=jnp.float32)

    return pl.pallas_call(
        body,
        grid=(N_FRAG // F_BLK,),
        in_specs=[
            pl.BlockSpec((D_EMB, F_BLK), lambda i: (0, i)),
            pl.BlockSpec((D_EMB, FRAG_PER_ROW), lambda i: (0, 0)),
            pl.BlockSpec((F_BLK, FRAG_PER_ROW), lambda i: (0, 0)),
            pl.BlockSpec((R_BLK, F_BLK), lambda i: (0, 0)),
        ],
        out_specs=pl.BlockSpec((R_BLK, FRAG_PER_ROW), lambda i: (i, 0)),
        out_shape=jax.ShapeDtypeStruct((N_ROW, FRAG_PER_ROW), jnp.float32),
    )(e_t, w2, m_mask, g_sum)


def _scatter_body(ids_hbm, vals_hbm, bounds_hbm, out_hbm,
                  idx_v, val_v, bounds_v, acc):
    w = lax.axis_index("c") * NS + lax.axis_index("s")
    base = w * BIN_PER_W

    def zfill(i, _):
        acc[pl.ds(i * 16, 16)] = jnp.zeros((16,), jnp.float32)
        return 0

    lax.fori_loop(0, (BIN_PER_W + 16) // 16, zfill, 0)

    pltpu.sync_copy(bounds_hbm, bounds_v)
    bpair = bounds_v[pl.ds(w * 8, 16)]
    fs = bpair[0]
    fe = bpair[1]
    fs8 = pl.multiple_of(fs & ~7, 8)
    nch = (fe - fs8 + CHUNK - 1) // CHUNK

    def chunk_loop(i, _):
        off = pl.multiple_of(fs8 + i * CHUNK, 8)
        pltpu.sync_copy(ids_hbm.at[pl.ds(off, CHUNK)], idx_v)
        pltpu.sync_copy(vals_hbm.at[pl.ds(off, CHUNK)], val_v)

        def scat(j, _):
            v = idx_v[pl.ds(j * 16, 16)] - base
            ok = (v >= 0) & (v < BIN_PER_W)
            tgt = jnp.where(ok, v, jnp.full((16,), TRASH, jnp.int32))
            plsc.addupdate_scatter(acc, [tgt], val_v[pl.ds(j * 16, 16)])
            return 0

        lax.fori_loop(0, CHUNK // 16, scat, 0)
        return 0

    lax.fori_loop(0, nch, chunk_loop, 0)

    pltpu.sync_copy(acc.at[pl.ds(0, BIN_PER_W)],
                    out_hbm.at[pl.ds(base, BIN_PER_W)])


def _scatter(ids_p, vals_p, bounds):
    mesh = plsc.VectorSubcoreMesh(core_axis_name="c", subcore_axis_name="s")
    return pl.kernel(
        _scatter_body,
        mesh=mesh,
        out_type=jax.ShapeDtypeStruct((NSEG,), jnp.float32),
        compiler_params=pltpu.CompilerParams(needs_layout_passes=False),
        scratch_types=[
            pltpu.VMEM((CHUNK,), jnp.int32),
            pltpu.VMEM((CHUNK,), jnp.float32),
            pltpu.VMEM(((NW + 8) * 8,), jnp.int32),
            pltpu.VMEM((BIN_PER_W + 16,), jnp.float32),
        ],
    )(ids_p, vals_p, bounds)


def _finalize(acc128, bias_row):
    R = 256

    def body(p_ref, b_ref, o_ref):
        o_ref[...] = p_ref[...].reshape(R, GENE_N) + b_ref[...]

    return pl.pallas_call(
        body,
        grid=(CELL_N // R,),
        in_specs=[
            pl.BlockSpec((2 * R, FRAG_PER_ROW), lambda i: (i, 0)),
            pl.BlockSpec((1, GENE_N), lambda i: (0, 0)),
        ],
        out_specs=pl.BlockSpec((R, GENE_N), lambda i: (i, 0)),
        out_shape=jax.ShapeDtypeStruct((CELL_N, GENE_N), jnp.float32),
    )(acc128, bias_row)


def kernel(fragment_embedding, fragment_cellxgene_ix, cell_n, gene_n, gene_ix,
           weight1, bias1):
    offset = (cell_n * gene_n - NSEG).astype(jnp.int32)
    ids = fragment_cellxgene_ix.astype(jnp.int32) + offset
    ids = jnp.clip(ids, 0, NSEG - 1)

    edges = jnp.arange(NW + 1, dtype=jnp.int32) * BIN_PER_W
    b = jnp.searchsorted(ids, edges).astype(jnp.int32)
    bounds = jnp.pad(jnp.stack([b[:NW], b[1:NW + 1]], axis=1),
                     ((0, 8), (0, 6))).reshape(-1)
    ids_p = jnp.pad(ids, (0, CHUNK), constant_values=NSEG)

    w2 = weight1.astype(jnp.float32)[:, None] * jnp.ones(
        (1, FRAG_PER_ROW), jnp.float32)
    m_mask = jnp.tile(jnp.eye(FRAG_PER_ROW, dtype=jnp.float32),
                      (F_BLK // FRAG_PER_ROW, 1))
    g_sum = jnp.repeat(jnp.eye(R_BLK, dtype=jnp.float32), FRAG_PER_ROW,
                       axis=1)

    e_t = jnp.transpose(fragment_embedding)
    scalars = _matvec(e_t, w2, m_mask, g_sum)
    acc = _scatter(ids, scalars.reshape(N_FRAG), bounds)

    bias_row = bias1[gene_ix].astype(jnp.float32).reshape(1, GENE_N)
    return _finalize(acc.reshape(N_ROW, FRAG_PER_ROW), bias_row)

# --- scband reference (transcript-rebuilt; emitter-appended) ---
"""Pipeline reference for scband-fragment-embedding-to-expression-13855564497131 (READ-ONLY COPY).

The authoritative reference and input builder live on the scoring server;
editing this copy changes nothing except your own understanding.
"""

import jax, jax.numpy as jnp
import numpy as np

CELL_N = 4096
GENE_N = 256
N_FRAG = 1048576
D_EMB = 64

def setup_inputs(seed: int = 0) -> dict:
    key = jax.random.key(seed)
    k1, k2, k3, k4 = jax.random.split(key, 4)
    fragment_embedding = jax.random.normal(k1, (N_FRAG, D_EMB), dtype=jnp.float32)
    fragment_cellxgene_ix = jnp.sort(jax.random.randint(k2, (N_FRAG,), 0, CELL_N * GENE_N, dtype=jnp.int64))
    gene_ix = jnp.arange(GENE_N, dtype=jnp.int64)
    # learned / buffer parameters (weight1 is zero-init in the torch module; use small
    # random values so the computation is non-degenerate)
    weight1 = jax.random.normal(k3, (D_EMB,), dtype=jnp.float32) * 0.05
    bias1 = jax.random.normal(k4, (GENE_N,), dtype=jnp.float32)
    return {
        "fragment_embedding": fragment_embedding,
        "fragment_cellxgene_ix": fragment_cellxgene_ix,
        "cell_n": CELL_N,
        "gene_n": GENE_N,
        "gene_ix": gene_ix,
        "weight1": weight1,
        "bias1": bias1,
    }

def reference(fragment_embedding, fragment_cellxgene_ix, cell_n, gene_n, gene_ix, weight1, bias1):
    gene_n_static = gene_ix.shape[0]
    cell_n_static = CELL_N
    num_segments = cell_n_static * gene_n_static
    segment_ids = fragment_cellxgene_ix + (cell_n * gene_n - num_segments)
    # EmbeddingGenePooler: segment-sum fragments into cellxgene slots
    cellxgene_embedding = jax.ops.segment_sum(
        fragment_embedding, segment_ids, num_segments=num_segments
    )
    cell_gene_embedding = cellxgene_embedding.reshape((cell_n_static, gene_n_static, cellxgene_embedding.shape[-1]))
    # EmbeddingToExpression
    expression_predicted = (cell_gene_embedding * weight1).sum(-1) + bias1[gene_ix]
    return expression_predicted

if __name__ == "__main__":
    import jax
    _d = setup_inputs()
    print(jax.jit(kernel)(*tuple(_d.values())))

</pallas_src>

<mosaic_0001>
#map = affine_map<(d0, d1) -> (0)>
module attributes {stable_mosaic.version = 14 : i64} {
  func.func @_scatter_body(%arg0: i32, %arg1: i32, %arg2: memref<1048576xi32, #tpu.memory_space<hbm>>, %arg3: memref<1048576xf32, #tpu.memory_space<hbm>>, %arg4: memref<320xi32, #tpu.memory_space<hbm>>, %arg5: memref<1048576xf32, #tpu.memory_space<hbm>>, %arg6: memref<16384xi32, #tpu.memory_space<vmem>>, %arg7: memref<16384xf32, #tpu.memory_space<vmem>>, %arg8: memref<320xi32, #tpu.memory_space<vmem>>, %arg9: memref<32784xf32, #tpu.memory_space<vmem>>) attributes {dimension_semantics = [#tpu.dimension_semantics<core_parallel>, #tpu.dimension_semantics<subcore_parallel>], iteration_bounds = array<i64: 2, 16>, scalar_prefetch = 0 : i64, scratch_operands = 4 : i64, tpu.core_type = #tpu.core_type<sc_vector_subcore>, window_params = [{transform_indices = #map}, {transform_indices = #map}, {transform_indices = #map}, {transform_indices = #map}]} {
    %mul3A = arith.constant 16 : i32
    %mul3A_0 = arith.muli %arg0, %mul3A : i32
    %add3A = arith.addi %mul3A_0, %arg1 : i32
    %mul3A_1 = arith.constant 32768 : i32
    %mul3A_2 = arith.muli %add3A, %mul3A_1 : i32
    %scan3A = arith.constant 0 : i32
    %scan3A_3 = arith.constant 0 : i32
    %scan3A_4 = arith.constant 2049 : i32
    %scan3A_5 = arith.addi %scan3A_3, %scan3A_4 : i32
    %scan3A_6 = arith.constant 1 : i32
    %scan3A_7 = scf.for %scan3A_48 = %scan3A_3 to %scan3A_5 step %scan3A_6 iter_args(%scan3A_49 = %scan3A) -> (i32)  : i32 {
      %broadcast_in_dim3A = arith.constant 0.000000e+00 : f32
      %broadcast_in_dim3A_50 = vector.broadcast %broadcast_in_dim3A : f32 to vector<16xf32>
      %mul3A_51 = arith.constant 16 : i32
      %mul3A_52 = arith.muli %scan3A_48, %mul3A_51 : i32
      %swap3A = arith.index_cast %mul3A_52 : i32 to index
      %swap3A_53 = tpu.vector_load %arg9[%swap3A] {strides = array<i32>} : memref<32784xf32, #tpu.memory_space<vmem>>, vector<16xf32>,
      tpu.vector_store %arg9[%swap3A], %broadcast_in_dim3A_50 {strides = array<i32>} : memref<32784xf32, #tpu.memory_space<vmem>>, vector<16xf32>,
      %scan3A_54 = arith.constant 0 : i32
      scf.yield %scan3A_54 : i32
    }
    %scan3A_8 = arith.constant 2049 : i32
    "tpu.region"() ({
      %run_scoped3A = tpu.sem_alloc : memref<!tpu.dma_semaphore, #tpu.memory_space<semaphore_mem>>
      tpu.enqueue_dma source(%arg4 : memref<320xi32, #tpu.memory_space<hbm>>) target(%arg8 : memref<320xi32, #tpu.memory_space<vmem>>) target_semaphore(%run_scoped3A : memref<!tpu.dma_semaphore, #tpu.memory_space<semaphore_mem>>)
      tpu.wait_dma2 semaphore(%run_scoped3A : memref<!tpu.dma_semaphore, #tpu.memory_space<semaphore_mem>>) src(%arg4 : memref<320xi32, #tpu.memory_space<hbm>>) dst(%arg8 : memref<320xi32, #tpu.memory_space<vmem>>)
      tpu.yield
    }) : () -> ()
    %mul3A_9 = arith.constant 8 : i32
    %mul3A_10 = arith.muli %add3A, %mul3A_9 : i32
    %get3A = arith.index_cast %mul3A_10 : i32 to index
    %get3A_11 = tpu.vector_load %arg8[%get3A] {strides = array<i32>} : memref<320xi32, #tpu.memory_space<vmem>>, vector<16xi32>,
    %slice3A = vector.extract_strided_slice %get3A_11 {offsets = [0], sizes = [1], strides = [1]} : vector<16xi32> to vector<1xi32>
    %squeeze3A = vector.extract %slice3A[0] : i32 from vector<1xi32>
    %slice3A_12 = vector.extract_strided_slice %get3A_11 {offsets = [1], sizes = [1], strides = [1]} : vector<16xi32> to vector<1xi32>
    %squeeze3A_13 = vector.extract %slice3A_12[0] : i32 from vector<1xi32>
    %and3A = arith.constant -8 : i32
    %and3A_14 = arith.andi %squeeze3A, %and3A : i32
    %multiple_of3A = tpu.assume_multiple %and3A_14, 8 : i32
    %sub3A = arith.subi %squeeze3A_13, %multiple_of3A : i32
    %add3A_15 = arith.constant 16384 : i32
    %add3A_16 = arith.addi %sub3A, %add3A_15 : i32
    %sub3A_17 = arith.constant 1 : i32
    %sub3A_18 = arith.subi %add3A_16, %sub3A_17 : i32
    %jit3A = arith.constant 16384 : i32
    %div3A = arith.divsi %sub3A_18, %jit3A : i32
    %sign3A = arith.constant 0 : i32
    %sign3A_19 = arith.cmpi sgt, %sub3A_18, %sign3A : i32
    %sign3A_20 = arith.extui %sign3A_19 : i1 to i32
    %sign3A_21 = arith.constant 0 : i32
    %sign3A_22 = arith.cmpi slt, %sub3A_18, %sign3A_21 : i32
    %sign3A_23 = arith.extui %sign3A_22 : i1 to i32
    %sign3A_24 = arith.subi %sign3A_20, %sign3A_23 : i32
    %sign3A_25 = arith.constant 0 : i32
    %sign3A_26 = arith.cmpi sgt, %jit3A, %sign3A_25 : i32
    %sign3A_27 = arith.extui %sign3A_26 : i1 to i32
    %sign3A_28 = arith.constant 0 : i32
    %sign3A_29 = arith.cmpi slt, %jit3A, %sign3A_28 : i32
    %sign3A_30 = arith.extui %sign3A_29 : i1 to i32
    %sign3A_31 = arith.subi %sign3A_27, %sign3A_30 : i32
    %ne3A = arith.cmpi ne, %sign3A_24, %sign3A_31 : i32
    %rem3A = arith.remsi %sub3A_18, %jit3A : i32
    %ne3A_32 = arith.constant 0 : i32
    %ne3A_33 = arith.cmpi ne, %rem3A, %ne3A_32 : i32
    %and3A_34 = arith.andi %ne3A, %ne3A_33 : i1
    %sub3A_35 = arith.constant 1 : i32
    %sub3A_36 = arith.subi %div3A, %sub3A_35 : i32
    %select_n3A = arith.select %and3A_34, %sub3A_36, %div3A : i32
    %while3A = arith.constant 0 : i32
    %while3A_37 = arith.constant 0 : i32
    %while3A_38 = arith.subi %select_n3A, %while3A : i32
    %while3A_39 = arith.addi %while3A, %while3A_38 : i32
    %while3A_40 = arith.constant 1 : i32
    %while3A_41 = arith.divsi %while3A_38, %while3A_40 : i32
    %while3A_42 = arith.muli %while3A_41, %while3A_40 : i32
    %while3A_43 = arith.addi %while3A, %while3A_42 : i32
    %while3A_44 = arith.constant 1 : i32
    %while3A_45 = scf.for %while3A_48 = %while3A to %while3A_43 step %while3A_44 iter_args(%while3A_49 = %while3A_37) -> (i32)  : i32 {
      %mul3A_50 = arith.constant 16384 : i32
      %mul3A_51 = arith.muli %while3A_48, %mul3A_50 : i32
      %add3A_52 = arith.addi %multiple_of3A, %mul3A_51 : i32
      %multiple_of3A_53 = tpu.assume_multiple %add3A_52, 8 : i32
      "tpu.region"() ({
        %run_scoped3A = tpu.sem_alloc : memref<!tpu.dma_semaphore, #tpu.memory_space<semaphore_mem>>
        %dma_start3A = tpu.memref_slice %arg2[%multiple_of3A_53] : memref<1048576xi32, #tpu.memory_space<hbm>> -> memref<16384xi32, #tpu.memory_space<hbm>>
        %dma_start3A_62 = tpu.memref_slice %arg2[%multiple_of3A_53] : memref<1048576xi32, #tpu.memory_space<hbm>> -> memref<16384xi32, #tpu.memory_space<hbm>>
        tpu.enqueue_dma source(%dma_start3A_62 : memref<16384xi32, #tpu.memory_space<hbm>>) target(%arg6 : memref<16384xi32, #tpu.memory_space<vmem>>) target_semaphore(%run_scoped3A : memref<!tpu.dma_semaphore, #tpu.memory_space<semaphore_mem>>)
        %dma_wait3A = tpu.memref_slice %arg2[%multiple_of3A_53] : memref<1048576xi32, #tpu.memory_space<hbm>> -> memref<16384xi32, #tpu.memory_space<hbm>>
        %dma_wait3A_63 = tpu.memref_slice %arg2[%multiple_of3A_53] : memref<1048576xi32, #tpu.memory_space<hbm>> -> memref<16384xi32, #tpu.memory_space<hbm>>
        tpu.wait_dma2 semaphore(%run_scoped3A : memref<!tpu.dma_semaphore, #tpu.memory_space<semaphore_mem>>) src(%dma_wait3A_63 : memref<16384xi32, #tpu.memory_space<hbm>>) dst(%arg6 : memref<16384xi32, #tpu.memory_space<vmem>>)
        tpu.yield
      }) : () -> ()
      "tpu.region"() ({
        %run_scoped3A = tpu.sem_alloc : memref<!tpu.dma_semaphore, #tpu.memory_space<semaphore_mem>>
        %dma_start3A = tpu.memref_slice %arg3[%multiple_of3A_53] : memref<1048576xf32, #tpu.memory_space<hbm>> -> memref<16384xf32, #tpu.memory_space<hbm>>
        %dma_start3A_62 = tpu.memref_slice %arg3[%multiple_of3A_53] : memref<1048576xf32, #tpu.memory_space<hbm>> -> memref<16384xf32, #tpu.memory_space<hbm>>
        tpu.enqueue_dma source(%dma_start3A_62 : memref<16384xf32, #tpu.memory_space<hbm>>) target(%arg7 : memref<16384xf32, #tpu.memory_space<vmem>>) target_semaphore(%run_scoped3A : memref<!tpu.dma_semaphore, #tpu.memory_space<semaphore_mem>>)
        %dma_wait3A = tpu.memref_slice %arg3[%multiple_of3A_53] : memref<1048576xf32, #tpu.memory_space<hbm>> -> memref<16384xf32, #tpu.memory_space<hbm>>
        %dma_wait3A_63 = tpu.memref_slice %arg3[%multiple_of3A_53] : memref<1048576xf32, #tpu.memory_space<hbm>> -> memref<16384xf32, #tpu.memory_space<hbm>>
        tpu.wait_dma2 semaphore(%run_scoped3A : memref<!tpu.dma_semaphore, #tpu.memory_space<semaphore_mem>>) src(%dma_wait3A_63 : memref<16384xf32, #tpu.memory_space<hbm>>) dst(%arg7 : memref<16384xf32, #tpu.memory_space<vmem>>)
        tpu.yield
      }) : () -> ()
      %scan3A_54 = arith.constant 0 : i32
      %scan3A_55 = arith.constant 0 : i32
      %scan3A_56 = arith.constant 1024 : i32
      %scan3A_57 = arith.addi %scan3A_55, %scan3A_56 : i32
      %scan3A_58 = arith.constant 1 : i32
      %scan3A_59 = scf.for %scan3A_62 = %scan3A_55 to %scan3A_57 step %scan3A_58 iter_args(%scan3A_63 = %scan3A_54) -> (i32)  : i32 {
        %mul3A_64 = arith.constant 16 : i32
        %mul3A_65 = arith.muli %scan3A_62, %mul3A_64 : i32
        %get3A_66 = arith.index_cast %mul3A_65 : i32 to index
        %get3A_67 = tpu.vector_load %arg6[%get3A_66] {strides = array<i32>} : memref<16384xi32, #tpu.memory_space<vmem>>, vector<16xi32>,
        %sub3A_68 = vector.broadcast %mul3A_2 : i32 to vector<16xi32>
        %sub3A_69 = arith.subi %get3A_67, %sub3A_68 : vector<16xi32>
        %ge3A = arith.constant 0 : i32
        %ge3A_70 = vector.broadcast %ge3A : i32 to vector<16xi32>
        %ge3A_71 = arith.cmpi sge, %sub3A_69, %ge3A_70 : vector<16xi32>
        %lt3A = arith.constant 32768 : i32
        %lt3A_72 = vector.broadcast %lt3A : i32 to vector<16xi32>
        %lt3A_73 = arith.cmpi slt, %sub3A_69, %lt3A_72 : vector<16xi32>
        %and3A_74 = arith.andi %ge3A_71, %lt3A_73 : vector<16xi1>
        %broadcast_in_dim3A = arith.constant 32768 : i32
        %broadcast_in_dim3A_75 = vector.broadcast %broadcast_in_dim3A : i32 to vector<16xi32>
        %select_n3A_76 = arith.select %and3A_74, %sub3A_69, %broadcast_in_dim3A_75 : vector<16xi1>, vector<16xi32>
        %mul3A_77 = arith.constant 16 : i32
        %mul3A_78 = arith.muli %scan3A_62, %mul3A_77 : i32
        %get3A_79 = arith.index_cast %mul3A_78 : i32 to index
        %get3A_80 = tpu.vector_load %arg7[%get3A_79] {strides = array<i32>} : memref<16384xf32, #tpu.memory_space<vmem>>, vector<16xf32>,
        tpu.vector_store_idx %arg9[%select_n3A_76], %get3A_80 {add = true} : memref<32784xf32, #tpu.memory_space<vmem>>[vector<16xi32>], vector<16xf32>,
        %scan3A_81 = arith.constant 0 : i32
        scf.yield %scan3A_81 : i32
      }
      %scan3A_60 = arith.constant 1024 : i32
      %while3A_61 = arith.constant 0 : i32
      scf.yield %while3A_61 : i32
    }
    %while3A_46 = arith.constant 1 : i32
    %while3A_47 = scf.for %while3A_48 = %while3A_43 to %while3A_39 step %while3A_46 iter_args(%while3A_49 = %while3A_45) -> (i32)  : i32 {
      %mul3A_50 = arith.constant 16384 : i32
      %mul3A_51 = arith.muli %while3A_48, %mul3A_50 : i32
      %add3A_52 = arith.addi %multiple_of3A, %mul3A_51 : i32
      %multiple_of3A_53 = tpu.assume_multiple %add3A_52, 8 : i32
      "tpu.region"() ({
        %run_scoped3A = tpu.sem_alloc : memref<!tpu.dma_semaphore, #tpu.memory_space<semaphore_mem>>
        %dma_start3A = tpu.memref_slice %arg2[%multiple_of3A_53] : memref<1048576xi32, #tpu.memory_space<hbm>> -> memref<16384xi32, #tpu.memory_space<hbm>>
        %dma_start3A_62 = tpu.memref_slice %arg2[%multiple_of3A_53] : memref<1048576xi32, #tpu.memory_space<hbm>> -> memref<16384xi32, #tpu.memory_space<hbm>>
        tpu.enqueue_dma source(%dma_start3A_62 : memref<16384xi32, #tpu.memory_space<hbm>>) target(%arg6 : memref<16384xi32, #tpu.memory_space<vmem>>) target_semaphore(%run_scoped3A : memref<!tpu.dma_semaphore, #tpu.memory_space<semaphore_mem>>)
        %dma_wait3A = tpu.memref_slice %arg2[%multiple_of3A_53] : memref<1048576xi32, #tpu.memory_space<hbm>> -> memref<16384xi32, #tpu.memory_space<hbm>>
        %dma_wait3A_63 = tpu.memref_slice %arg2[%multiple_of3A_53] : memref<1048576xi32, #tpu.memory_space<hbm>> -> memref<16384xi32, #tpu.memory_space<hbm>>
        tpu.wait_dma2 semaphore(%run_scoped3A : memref<!tpu.dma_semaphore, #tpu.memory_space<semaphore_mem>>) src(%dma_wait3A_63 : memref<16384xi32, #tpu.memory_space<hbm>>) dst(%arg6 : memref<16384xi32, #tpu.memory_space<vmem>>)
        tpu.yield
      }) : () -> ()
      "tpu.region"() ({
        %run_scoped3A = tpu.sem_alloc : memref<!tpu.dma_semaphore, #tpu.memory_space<semaphore_mem>>
        %dma_start3A = tpu.memref_slice %arg3[%multiple_of3A_53] : memref<1048576xf32, #tpu.memory_space<hbm>> -> memref<16384xf32, #tpu.memory_space<hbm>>
        %dma_start3A_62 = tpu.memref_slice %arg3[%multiple_of3A_53] : memref<1048576xf32, #tpu.memory_space<hbm>> -> memref<16384xf32, #tpu.memory_space<hbm>>
        tpu.enqueue_dma source(%dma_start3A_62 : memref<16384xf32, #tpu.memory_space<hbm>>) target(%arg7 : memref<16384xf32, #tpu.memory_space<vmem>>) target_semaphore(%run_scoped3A : memref<!tpu.dma_semaphore, #tpu.memory_space<semaphore_mem>>)
        %dma_wait3A = tpu.memref_slice %arg3[%multiple_of3A_53] : memref<1048576xf32, #tpu.memory_space<hbm>> -> memref<16384xf32, #tpu.memory_space<hbm>>
        %dma_wait3A_63 = tpu.memref_slice %arg3[%multiple_of3A_53] : memref<1048576xf32, #tpu.memory_space<hbm>> -> memref<16384xf32, #tpu.memory_space<hbm>>
        tpu.wait_dma2 semaphore(%run_scoped3A : memref<!tpu.dma_semaphore, #tpu.memory_space<semaphore_mem>>) src(%dma_wait3A_63 : memref<16384xf32, #tpu.memory_space<hbm>>) dst(%arg7 : memref<16384xf32, #tpu.memory_space<vmem>>)
        tpu.yield
      }) : () -> ()
      %scan3A_54 = arith.constant 0 : i32
      %scan3A_55 = arith.constant 0 : i32
      %scan3A_56 = arith.constant 1024 : i32
      %scan3A_57 = arith.addi %scan3A_55, %scan3A_56 : i32
      %scan3A_58 = arith.constant 1 : i32
      %scan3A_59 = scf.for %scan3A_62 = %scan3A_55 to %scan3A_57 step %scan3A_58 iter_args(%scan3A_63 = %scan3A_54) -> (i32)  : i32 {
        %mul3A_64 = arith.constant 16 : i32
        %mul3A_65 = arith.muli %scan3A_62, %mul3A_64 : i32
        %get3A_66 = arith.index_cast %mul3A_65 : i32 to index
        %get3A_67 = tpu.vector_load %arg6[%get3A_66] {strides = array<i32>} : memref<16384xi32, #tpu.memory_space<vmem>>, vector<16xi32>,
        %sub3A_68 = vector.broadcast %mul3A_2 : i32 to vector<16xi32>
        %sub3A_69 = arith.subi %get3A_67, %sub3A_68 : vector<16xi32>
        %ge3A = arith.constant 0 : i32
        %ge3A_70 = vector.broadcast %ge3A : i32 to vector<16xi32>
        %ge3A_71 = arith.cmpi sge, %sub3A_69, %ge3A_70 : vector<16xi32>
        %lt3A = arith.constant 32768 : i32
        %lt3A_72 = vector.broadcast %lt3A : i32 to vector<16xi32>
        %lt3A_73 = arith.cmpi slt, %sub3A_69, %lt3A_72 : vector<16xi32>
        %and3A_74 = arith.andi %ge3A_71, %lt3A_73 : vector<16xi1>
        %broadcast_in_dim3A = arith.constant 32768 : i32
        %broadcast_in_dim3A_75 = vector.broadcast %broadcast_in_dim3A : i32 to vector<16xi32>
        %select_n3A_76 = arith.select %and3A_74, %sub3A_69, %broadcast_in_dim3A_75 : vector<16xi1>, vector<16xi32>
        %mul3A_77 = arith.constant 16 : i32
        %mul3A_78 = arith.muli %scan3A_62, %mul3A_77 : i32
        %get3A_79 = arith.index_cast %mul3A_78 : i32 to index
        %get3A_80 = tpu.vector_load %arg7[%get3A_79] {strides = array<i32>} : memref<16384xf32, #tpu.memory_space<vmem>>, vector<16xf32>,
        tpu.vector_store_idx %arg9[%select_n3A_76], %get3A_80 {add = true} : memref<32784xf32, #tpu.memory_space<vmem>>[vector<16xi32>], vector<16xf32>,
        %scan3A_81 = arith.constant 0 : i32
        scf.yield %scan3A_81 : i32
      }
      %scan3A_60 = arith.constant 1024 : i32
      %while3A_61 = arith.constant 0 : i32
      scf.yield %while3A_61 : i32
    }
    "tpu.region"() ({
      %run_scoped3A = tpu.sem_alloc : memref<!tpu.dma_semaphore, #tpu.memory_space<semaphore_mem>>
      %dma_start3A = arith.constant 0 : i32
      %dma_start3A_48 = tpu.memref_slice %arg9[%dma_start3A] : memref<32784xf32, #tpu.memory_space<vmem>> -> memref<32768xf32, #tpu.memory_space<vmem>>
      %dma_start3A_49 = tpu.memref_slice %arg5[%mul3A_2] : memref<1048576xf32, #tpu.memory_space<hbm>> -> memref<32768xf32, #tpu.memory_space<hbm>>
      %dma_start3A_50 = tpu.memref_slice %arg5[%mul3A_2] : memref<1048576xf32, #tpu.memory_space<hbm>> -> memref<32768xf32, #tpu.memory_space<hbm>>
      %dma_start3A_51 = arith.constant 0 : i32
      %dma_start3A_52 = tpu.memref_slice %arg9[%dma_start3A_51] : memref<32784xf32, #tpu.memory_space<vmem>> -> memref<32768xf32, #tpu.memory_space<vmem>>
      tpu.enqueue_dma source(%dma_start3A_52 : memref<32768xf32, #tpu.memory_space<vmem>>) target(%dma_start3A_50 : memref<32768xf32, #tpu.memory_space<hbm>>) target_semaphore(%run_scoped3A : memref<!tpu.dma_semaphore, #tpu.memory_space<semaphore_mem>>)
      %dma_wait3A = arith.constant 0 : i32
      %dma_wait3A_53 = tpu.memref_slice %arg9[%dma_wait3A] : memref<32784xf32, #tpu.memory_space<vmem>> -> memref<32768xf32, #tpu.memory_space<vmem>>
      %dma_wait3A_54 = tpu.memref_slice %arg5[%mul3A_2] : memref<1048576xf32, #tpu.memory_space<hbm>> -> memref<32768xf32, #tpu.memory_space<hbm>>
      %dma_wait3A_55 = tpu.memref_slice %arg5[%mul3A_2] : memref<1048576xf32, #tpu.memory_space<hbm>> -> memref<32768xf32, #tpu.memory_space<hbm>>
      %dma_wait3A_56 = arith.constant 0 : i32
      %dma_wait3A_57 = tpu.memref_slice %arg9[%dma_wait3A_56] : memref<32784xf32, #tpu.memory_space<vmem>> -> memref<32768xf32, #tpu.memory_space<vmem>>
      tpu.wait_dma2 semaphore(%run_scoped3A : memref<!tpu.dma_semaphore, #tpu.memory_space<semaphore_mem>>) src(%dma_wait3A_57 : memref<32768xf32, #tpu.memory_space<vmem>>) dst(%dma_wait3A_55 : memref<32768xf32, #tpu.memory_space<hbm>>)
      tpu.yield
    }) : () -> ()
    return
  }
}

module attributes {stable_mosaic.version = 14 : i64} {
  func.func @body(%arg0: i32, %arg1: memref<64x16384xf32, #tpu.memory_space<vmem>>, %arg2: memref<64x128xf32, #tpu.memory_space<vmem>>, %arg3: memref<16384x128xf32, #tpu.memory_space<vmem>>, %arg4: memref<128x16384xf32, #tpu.memory_space<vmem>>, %arg5: memref<128x128xf32, #tpu.memory_space<vmem>>) attributes {dimension_semantics = [#tpu.dimension_semantics<arbitrary>], iteration_bounds = array<i64: 64>, scalar_prefetch = 0 : i64, scratch_operands = 0 : i64, tpu.core_type = #tpu.core_type<tc>, window_params = [{transform_indices = @transform_0, window_bounds = array<i64: 64, 16384>}, {pipeline_mode = #tpu.pipeline_mode<synchronous>, transform_indices = @transform_1, window_bounds = array<i64: 64, 128>}, {pipeline_mode = #tpu.pipeline_mode<synchronous>, transform_indices = @transform_2, window_bounds = array<i64: 16384, 128>}, {pipeline_mode = #tpu.pipeline_mode<synchronous>, transform_indices = @transform_3, window_bounds = array<i64: 128, 16384>}, {transform_indices = @transform_4, window_bounds = array<i64: 128, 128>}]} {
    %get3A = arith.constant 0 : index
    %get3A_0 = arith.constant 0 : index
    %get3A_1 = vector.load %arg1[%get3A, %get3A_0] : memref<64x16384xf32, #tpu.memory_space<vmem>>, vector<64x16384xf32>
    %get3A_2 = arith.constant 0 : index
    %get3A_3 = arith.constant 0 : index
    %get3A_4 = vector.load %arg2[%get3A_2, %get3A_3] : memref<64x128xf32, #tpu.memory_space<vmem>>, vector<64x128xf32>
    %dot_general3A = arith.constant dense<0.000000e+00> : vector<16384x128xf32>
    %dot_general3A_5 = tpu.matmul %get3A_1, %get3A_4, %dot_general3A {dimension_numbers = #tpu.dot_dimension_numbers<[0], [0], [1], [1], [0, 1, 1, 1], [], []>, transpose_lhs_hint = false} : vector<64x16384xf32>, vector<64x128xf32>, vector<16384x128xf32> -> vector<16384x128xf32>
    %get3A_6 = arith.constant 0 : index
    %get3A_7 = arith.constant 0 : index
    %get3A_8 = vector.load %arg4[%get3A_6, %get3A_7] : memref<128x16384xf32, #tpu.memory_space<vmem>>, vector<128x16384xf32>
    %get3A_9 = arith.constant 0 : index
    %get3A_10 = arith.constant 0 : index
    %get3A_11 = vector.load %arg3[%get3A_9, %get3A_10] : memref<16384x128xf32, #tpu.memory_space<vmem>>, vector<16384x128xf32>
    %mul3A = arith.mulf %dot_general3A_5, %get3A_11 : vector<16384x128xf32>
    %dot_general3A_12 = arith.constant dense<0.000000e+00> : vector<128x128xf32>
    %dot_general3A_13 = tpu.matmul %get3A_8, %mul3A, %dot_general3A_12 {dimension_numbers = #tpu.dot_dimension_numbers<[1], [0], [0], [1], [0, 0, 1, 1], [], []>, transpose_lhs_hint = false} : vector<128x16384xf32>, vector<16384x128xf32>, vector<128x128xf32> -> vector<128x128xf32>
    %swap3A = arith.constant 0 : index
    %swap3A_14 = arith.constant 0 : index
    %swap3A_15 = vector.load %arg5[%swap3A, %swap3A_14] : memref<128x128xf32, #tpu.memory_space<vmem>>, vector<128x128xf32>
    tpu.vector_store %arg5[%swap3A, %swap3A_14], %dot_general3A_13 {strides = array<i32>} : memref<128x128xf32, #tpu.memory_space<vmem>>, vector<128x128xf32>,
    return
  }
  func.func @transform_0(%arg0: i32) -> (i32, i32) {
    %c0_i32 = arith.constant 0 : i32
    %c0_i32_0 = arith.constant 0 : i32
    return %c0_i32, %arg0 : i32, i32
  }
  func.func @transform_1(%arg0: i32) -> (i32, i32) {
    %c0_i32 = arith.constant 0 : i32
    %c0_i32_0 = arith.constant 0 : i32
    %c0_i32_1 = arith.constant 0 : i32
    return %c0_i32, %c0_i32_0 : i32, i32
  }
  func.func @transform_2(%arg0: i32) -> (i32, i32) {
    %c0_i32 = arith.constant 0 : i32
    %c0_i32_0 = arith.constant 0 : i32
    %c0_i32_1 = arith.constant 0 : i32
    return %c0_i32, %c0_i32_0 : i32, i32
  }
  func.func @transform_3(%arg0: i32) -> (i32, i32) {
    %c0_i32 = arith.constant 0 : i32
    %c0_i32_0 = arith.constant 0 : i32
    %c0_i32_1 = arith.constant 0 : i32
    return %c0_i32, %c0_i32_0 : i32, i32
  }
  func.func @transform_4(%arg0: i32) -> (i32, i32) {
    %c0_i32 = arith.constant 0 : i32
    %c0_i32_0 = arith.constant 0 : i32
    return %arg0, %c0_i32 : i32, i32
  }
}

module attributes {stable_mosaic.version = 14 : i64} {
  func.func @body(%arg0: i32, %arg1: memref<512x128xf32, #tpu.memory_space<vmem>>, %arg2: memref<1x256xf32, #tpu.memory_space<vmem>>, %arg3: memref<256x256xf32, #tpu.memory_space<vmem>>) attributes {dimension_semantics = [#tpu.dimension_semantics<arbitrary>], iteration_bounds = array<i64: 16>, scalar_prefetch = 0 : i64, scratch_operands = 0 : i64, tpu.core_type = #tpu.core_type<tc>, window_params = [{transform_indices = @transform_0, window_bounds = array<i64: 512, 128>}, {pipeline_mode = #tpu.pipeline_mode<synchronous>, transform_indices = @transform_1, window_bounds = array<i64: 1, 256>}, {transform_indices = @transform_2, window_bounds = array<i64: 256, 256>}]} {
    %get3A = arith.constant 0 : index
    %get3A_0 = arith.constant 0 : index
    %get3A_1 = vector.load %arg1[%get3A, %get3A_0] : memref<512x128xf32, #tpu.memory_space<vmem>>, vector<512x128xf32>
    %reshape3A = vector.shape_cast %get3A_1 : vector<512x128xf32> to vector<256x256xf32>
    %get3A_2 = arith.constant 0 : index
    %get3A_3 = arith.constant 0 : index
    %get3A_4 = vector.load %arg2[%get3A_2, %get3A_3] : memref<1x256xf32, #tpu.memory_space<vmem>>, vector<1x256xf32>
    %add3A = vector.broadcast %get3A_4 : vector<1x256xf32> to vector<256x256xf32>
    %add3A_5 = arith.addf %reshape3A, %add3A : vector<256x256xf32>
    %swap3A = arith.constant 0 : index
    %swap3A_6 = arith.constant 0 : index
    %swap3A_7 = vector.load %arg3[%swap3A, %swap3A_6] : memref<256x256xf32, #tpu.memory_space<vmem>>, vector<256x256xf32>
    tpu.vector_store %arg3[%swap3A, %swap3A_6], %add3A_5 {strides = array<i32>} : memref<256x256xf32, #tpu.memory_space<vmem>>, vector<256x256xf32>,
    return
  }
  func.func @transform_0(%arg0: i32) -> (i32, i32) {
    %c0_i32 = arith.constant 0 : i32
    %c0_i32_0 = arith.constant 0 : i32
    return %arg0, %c0_i32 : i32, i32
  }
  func.func @transform_1(%arg0: i32) -> (i32, i32) {
    %c0_i32 = arith.constant 0 : i32
    %c0_i32_0 = arith.constant 0 : i32
    %c0_i32_1 = arith.constant 0 : i32
    return %c0_i32, %c0_i32_0 : i32, i32
  }
  func.func @transform_2(%arg0: i32) -> (i32, i32) {
    %c0_i32 = arith.constant 0 : i32
    %c0_i32_0 = arith.constant 0 : i32
    return %arg0, %c0_i32 : i32, i32
  }
}

</mosaic_0001>

<sc_bundles>
// kernel: kernel.5.cloned.1.call-start
scs
__scs_entry_jumppad:
0x0: {  	(pc) =	sbr.rel $0x88, $3  }
0x1: {  	(tag) =	ssettag $0x0;
	lr =	simm.s32 $0x1  }
0x2: {  	[smem:$0x3F9A] =	sst lr;
	_ =	strace $0xD0000000  }
0x3: {  	_ = 	snop  }
0x4: {  	_ = 	snop  }
0x5: {  	_ = 	snop  }
0x6: {  	_ = 	snop  }
0x7: {  	_ = 	snop  }
__scs_overlays_trampoline_lowered:
0x8: {  	[smem:$0x3FA9] =	sst s0  }
0x9: {  	[smem:$0x3FAA] =	sst s1  }
0xa: {  	[smem:$0x3FAB] =	sst s2  }
0xb: {  	[smem:$0x3FAC] =	sst s3  }
0xc: {  	[smem:$0x3FAD] =	sst s4  }
0xd: {  	[smem:$0x3FAE] =	sst s5  }
0xe: {  	[smem:$0x3FAF] =	sst s6  }
0xf: {  	[smem:$0x3FB0] =	sst s7  }
0x10: {  	[smem:$0x3FB1] =	sst s8  }
0x11: {  	[smem:$0x3FB2] =	sst s9;
	s0 =	simm.s32 @!p0 $0x0  }
0x12: {  	s1 =	sld [smem:$0x3F98];
	s0 =	simm.s32 @p0 $0x1  }
0x13: {  	[smem:$0x3FB3] =	sst s0;
	s0 =	simm.s32 @!p1 $0x0  }
0x14: {  	s2 =	sld [smem:$0x3F97];
	s0 =	simm.s32 @p1 $0x1  }
0x15: {  	[smem:$0x3FB4] =	sst s0;
	s0 =	simm.s32 @!p2 $0x0  }
0x16: {  	s3 =	sld [smem:$0x3FDB];
	s0 =	simm.s32 @p2 $0x1  }
0x17: {  	s4 =	simm.s32 $0x1BF5;
	[smem:$0x3FB6] =	sst s0  }
0x18: {  	s0 =	sld [smem:$0x3F99];
	_ =	swait.ge [sflag:s4], $0x0  }
0x19: {  	s7 =	sld [smem:$0x3F9A]  }
0x1a: {  	s8 =	sadd.s32 $0xFFFFE003, lr  }
0x1b: {  	s9 =	sadd.s32 $0xFFFFFEF7, lr;
	s5 =	simm.s32 $0xFFFFFFFF;
	p2 =	slt.u32 s8, $0xFFFFF086  }
0x1c: {  	p1 =	slt.u32 s9, $0xF7A;
	s5 =	simm.s32 @!p2 $0x0  }
0x1d: {  	s5 =	simm.s32 @p1 $0x1;
	p0 =	seq.s32 s7, s2  }
0x1e: {  	s7 =	smul.u32 @!p0 $0xF7A, s2;
	p2 =	seq.s32 @!p0 s5, $0x0  }
0x1f: {  	s9 =	smul.u32 $0xF7A, s1;
	s8 =	simm.s32 @!p0 $0x1BF5;
	p2 =	por !p2, p0  }
0x20: {  	[sflag:s8] =	ssyncset.s32 @!p0 $0xFFFFF086;
	s6 =	sadd.s32 @!p0 s3, s7;
	s7 =	simm.s32 @!p0 $0x108  }
0x21: {  	s3 =	sadd.s32 s3, s9;
	s6 =	sadd.s32 @!p0 $0x88, s6;
	s7 =	simm.s32 @p2 $0x1082  }
0x22: {  	[simem:s7], [sflag:s8] =	dma.local @!p0 [hbm:s6], $0xF7A  }
0x23: {  	s9 =	sor.u32 $0xD0000000, s2;
	s6 =	simm.s32 $0x108;
	_ =	swait.ge @!p0 [sflag:s8], $0x0  }
0x24: {  	s3 =	sadd.s32 $0x88, s3;
	s6 =	simm.s32 @!p1 $0x1082;
	[sflag:s4] =	ssyncset.s32 $0xFFFFF086  }
0x25: {  	[simem:s6], [sflag:s4] =	dma.local [hbm:s3], $0xF7A  }
0x26: {  	[smem:$0x3F9A] =	sst s1;
	(tag) =	ssettag s2;
	_ =	strace s9  }
0x27: {  	s1 =	sld [smem:$0x3FAA]  }
0x28: {  	s2 =	sld [smem:$0x3FAB]  }
0x29: {  	s4 =	sld [smem:$0x3FAD]  }
0x2a: {  	p0 =	seq.s32 s5, $0x0;
	s5 =	sld [smem:$0x3FAE]  }
0x2b: {  	s6 =	sld [smem:$0x3FAF]  }
0x2c: {  	s7 =	sld [smem:$0x3FB0]  }
0x2d: {  	s3 =	simm.s32 $0x108;
	s8 =	sld [smem:$0x3FB1]  }
0x2e: {  	s3 =	simm.s32 @!p0 $0x1082;
	s9 =	sld [smem:$0x3FB2]  }
0x2f: {  	lr =	sadd.s32 s0, s3;
	s0 =	sld [smem:$0x3FA9]  }
0x30: {  	s3 =	sld [smem:$0x3FAC]  }
0x31: {  	[smem:$0x3FB5] =	sst s10  }
0x32: {  	s10 =	sld [smem:$0x3FB3];
	_ =	sdelay $0x3  }
0x33: {  	p0 =	seq.s32 s10, $0x1;
	s10 =	sld [smem:$0x3FB5];
	_ =	sdelay $0x3  }
0x34: {  	[smem:$0x3FB5] =	sst s10  }
0x35: {  	s10 =	sld [smem:$0x3FB4];
	_ =	sdelay $0x3  }
0x36: {  	p1 =	seq.s32 s10, $0x1;
	s10 =	sld [smem:$0x3FB5];
	_ =	sdelay $0x3  }
0x37: {  	[smem:$0x3FB5] =	sst s10  }
0x38: {  	s10 =	sld [smem:$0x3FB6]  }
0x39: {  	_ = 	snop;
	(pc) =	sbr.ind lr, $3  }
0x3a: {  	_ = 	snop  }
0x3b: {  	_ = 	snop  }
0x3c: {  	p2 =	seq.s32 s10, $0x1;
	s10 =	sld [smem:$0x3FB5]  }
0x3d: {  	_ =	shalt  }
0x3e: {  	_ =	shalt  }
0x3f: {  	_ =	shalt  }
0x40: {  	_ =	shalt  }
0x41: {  	_ =	shalt  }
0x42: {  	_ =	shalt  }
0x43: {  	_ =	shalt  }
0x44: {  	_ =	shalt  }
0x45: {  	_ =	shalt  }
0x46: {  	_ =	shalt  }
0x47: {  	_ =	shalt  }
0x48: {  	_ =	shalt  }
0x49: {  	_ =	shalt  }
0x4a: {  	_ =	shalt  }
0x4b: {  	_ =	shalt  }
0x4c: {  	_ =	shalt  }
0x4d: {  	_ =	shalt  }
0x4e: {  	_ =	shalt  }
0x4f: {  	_ =	shalt  }
0x50: {  	_ =	shalt  }
0x51: {  	_ =	shalt  }
0x52: {  	_ =	shalt  }
0x53: {  	_ =	shalt  }
0x54: {  	_ =	shalt  }
0x55: {  	_ =	shalt  }
0x56: {  	_ =	shalt  }
0x57: {  	_ =	shalt  }
0x58: {  	_ =	shalt  }
0x59: {  	_ =	shalt  }
0x5a: {  	_ =	shalt  }
0x5b: {  	_ =	shalt  }
0x5c: {  	_ =	shalt  }
0x5d: {  	_ =	shalt  }
0x5e: {  	_ =	shalt  }
0x5f: {  	_ =	shalt  }
0x60: {  	_ =	shalt  }
0x61: {  	_ =	shalt  }
0x62: {  	_ =	shalt  }
0x63: {  	_ =	shalt  }
0x64: {  	_ =	shalt  }
0x65: {  	_ =	shalt  }
0x66: {  	_ =	shalt  }
0x67: {  	_ =	shalt  }
0x68: {  	_ =	shalt  }
0x69: {  	_ =	shalt  }
0x6a: {  	_ =	shalt  }
0x6b: {  	_ =	shalt  }
0x6c: {  	_ =	shalt  }
0x6d: {  	_ =	shalt  }
0x6e: {  	_ =	shalt  }
0x6f: {  	_ =	shalt  }
0x70: {  	_ =	shalt  }
0x71: {  	_ =	shalt  }
0x72: {  	_ =	shalt  }
0x73: {  	_ =	shalt  }
0x74: {  	_ =	shalt  }
0x75: {  	_ =	shalt  }
0x76: {  	_ =	shalt  }
0x77: {  	_ =	shalt  }
0x78: {  	_ =	shalt  }
0x79: {  	_ =	shalt  }
0x7a: {  	_ =	shalt  }
0x7b: {  	_ =	shalt  }
0x7c: {  	_ =	shalt  }
0x7d: {  	_ =	shalt  }
0x7e: {  	_ =	shalt  }
0x7f: {  	_ =	shalt  }
0x80: {  	_ =	shalt  }
0x81: {  	_ =	shalt  }
0x82: {  	_ =	shalt  }
0x83: {  	_ =	shalt  }
0x84: {  	_ =	shalt  }
0x85: {  	_ =	shalt  }
0x86: {  	_ =	shalt  }
0x87: {  	_ =	shalt  }
.Lfunc_end0:
.L_simem_size_0:
called_computation_lowered:
.L_overlay_start_0:
0x88: {  	s2 =	sld [smem:$0x3FD9]  }
0x89: {  	s3 =	sld [smem:$0x3FFE];
	_ =	sdelay $0x1  }
0x8a: {  	s1 =	srdreg.scid  }
0x8b: {  	s0 =	sand.u32 $0x1, s1  }
0x8c: {  	s17 =	sshll.u32 s0, $0xA;
	s2 =	sadd.s32 s3, s2  }
0x8d: {  	s2 =	sadd.s32 s2, s17  }
0x8e: {  	[smem:$0x3FC1] =	sst s2  }
0x8f: {  	_ = 	snop  }
0x90: {  	s2 =	sld [smem:$0x3FD0];
	(tm) =	ssettm $0x1  }
0x91: {  	s18 =	sld [smem:$0x3FFB];
	_ =	sdelay $0x3  }
0x92: {  	_ =	strace s18  }
0x93: {  	s3 =	sld [smem:$0x3FFC];
	_ =	sdelay $0x3  }
0x94: {  	_ =	strace s3  }
0x95: {  	s3 =	sld [smem:$0x3FFD];
	_ =	sdelay $0x3  }
0x96: {  	_ =	strace s3  }
0x97: {  	_ =	strace $0x8FFFFFFF  }
0x98: {  	s19 =	sld [smem:$0x3FDB];
	_ =	sdelay $0x1  }
0x99: {  	s4 =	simm.s32 $_scs_section_size  }
0x9a: {  	s5 =	simm.s32 $_size__tile_overlayer_lowered;
	s6 =	simm.s32 $_tile_overlayer_lowered  }
0x9b: {  	s22 =	simm.s32 $0x1BFF;
	s21 =	sshll.u32 s6, $0x1;
	s3 =	sadd.s32 s4, s19  }
0x9c: {  	s7 =	simm.s32 $0x0;
	s20 =	sshll.u32 s5, $0x1;
	s5 =	sadd.s32 s21, s3  }
0x9d: {  	[timem:s7], [sflag:s22] =	dma.local [hbm:s5], s20  }
0x9e: {  	_ =	swait.ge [sflag:s22], s20  }
0x9f: {  	s4 =	ssub.s32 $0x0, s20;
	[sflag:s22] =	ssyncset.done $0x0  }
0xa0: {  	[sflag:s22] =	ssyncadd.s32 s4;
	_ =	sdelay $0x1  }
0xa1: {  	s23 =	simm.s32 $0x1B8B  }
0xa2: {  	_ =	swait.ge [sflag:s23], $0x1  }
0xa3: {  	[sflag:s23] =	ssyncset.done $0x0  }
0xa4: {  	s25 =	simm.s32 $0x1B8E;
	s24 =	sld [smem:$0x3FFE];
	[sflag:s23] =	ssyncadd.s32 $0xFFFFFFFF  }
0xa5: {  	s26 =	simm.s32 $execute0_lowered;
	[smem:$0x3FD2] =	sst s25  }
0xa6: {  	s5 =	sshll.u32 s26, $0x1;
	_ =	strace $0x80000046;
	[dreg:$0x1] =	wrdreg $0xFFFFFFFF  }
0xa7: {  	s28 =	simm.s32 $_size_execute0_lowered;
	s3 =	sadd.s32 s3, s5;
	[dreg:$0x0] =	wrdreg $0x0  }
0xa8: {  	s5 =	sshll.u32 s28, $0x1;
	[dreg:$0x2] =	wrdreg s3  }
0xa9: {  	[dreg:$0x3] =	wrdreg s5  }
0xaa: {  	[dreg:$0x4] =	wrdreg $0xC0  }
0xab: {  	_ =	task [dreg:s7], $0x5FFFF  }
0xac: {  	[dreg:$0x1] =	wrdreg $0xFFFFFFFF  }
0xad: {  	[dreg:$0x0] =	wrdreg $0x60  }
0xae: {  	[dreg:$0x2] =	wrdreg s2  }
0xaf: {  	[dreg:$0x3] =	wrdreg s24  }
0xb0: {  	[dreg:$0x4] =	wrdreg $0x9  }
0xb1: {  	_ =	task.clear_ibuf [dreg:s7], $0x5FFFF;
	_ =	strace $0x90000046  }
0xb2: {  	s29 =	simm.s32 $0x9;
	_ =	strace $0x80000048  }
0xb3: {  	_ =	swait.ge [sflag:s29], $0x1  }
0xb4: {  	[sflag:s29] =	ssyncadd.s32 $0xFFFFFFFF  }
0xb5: {  	_ =	strace $0x90000048  }
0xb6: {  	_ =	sfence  }
0xb7: {  	s30 =	sld [smem:$0x0];
	_ =	sdelay $0x2  }
0xb8: {  	s31 =	sshll.u32 s1, $0xD;
	s1 =	sshrl.u32 s1, $0x2  }
0xb9: {  	s3 =	sand.u32 $0x4000, s31;
	s1 =	sadd.s32 s1, s30  }
0xba: {  	s0 =	sor.u32 s3, s0;
	s1 =	sshll.u32 s1, $0x11  }
0xbb: {  	s0 =	sor.u32 s1, s0  }
0xbc: {  	s0 =	sadd.s32 $0x8F2B, s0  }
0xbd: {  	[sflag:s0] =	ssyncadd.remote.s32 $0x1  }
0xbe: {  	_ =	sfence.sel $0xFFFF  }
0xbf: {  	[dreg:$0x0] =	wrdreg $0xFFFFFFFF;
	(pc) =	sbr.abs _section_cstart, $3  }
0xc0: {  	[dreg:$0x1] =	wrdreg $0xFFFFFFFF  }
0xc1: {  	_ =	task.clear_ibuf [dreg:s7], $0x2FFFF;
	_ =	strace $0x9FFFFFFF  }
0xc2: {  	(tm) =	ssettm $0x7FFFFFFF  }
0xc3: {  	_ =	shalt  }
tec
execute0_lowered:
.L_overlay_start_1:
0x0: {  	(tag) =	ssettag $0x1  }
0x1: {  	s1 =	rddreg [dreg:$0x0]  }
0x2: {  	s6 =	rddreg [dreg:$0x1]  }
0x3: {  	s0 =	rddreg [dreg:$0x2];
	s2 =	simm.s32 $0x0;
	s3 =	srdreg.scid  }
0x4: {  	s12 =	simm.s32 $0x8180;
	s13 =	simm.s32 $0x0;
	[smem:$0x7FF] =	sst s2  }
0x5: {  	s5 =	sand.u32 $0x1, s3;
	s3 =	stileid.u32;
	s4 =	sadd.s32 $0x1800, s6  }
0x6: {  	_ =	strace $0x80000047;
	s7 =	sshll.u32 s5, $0x4;
	s8 =	ssub.s32 $0x2, s5  }
.Ltmp0:
0x7: {  	s7 =	sor.u32 s3, s7;
	s10 =	sshrl.u32 s8, $0x1;
	(pc) =	sbr.rel .LBB2_1-.Ltmp0, $4  }
0x8: {  	s5 =	sadd.s32 $0x1600, s6;
	s9 =	sshll.u32 s7, $0xC;
	s8 =	ssub.s32 s8, s10  }
0x9: {  	s11 =	sshll.u32 s7, $0xF;
	s31 =	sshll.u32 s7, $0x5;
	s6 =	sadd.s32 s9, s6  }
0xa: {  	s7 =	smax.u32 s8, $0x1;
	s8 =	simm.s32 $0x8000;
	s9 =	simm.s32 $0x1  }
0xb: {  	v1 =	vimm.f32 $0.0e+00;
	s10 =	sshrl.u32 s31, $0x2;
	v0 =	vmov s11;
	s11 =	simm.s32 $0x4000;
	s6 =	sadd.s32 $0x21800, s6  }
.LBB2_7:
0xc: {  	s13 =	sadd.s32 $0x1, s13  }
0xd: {  	p0 =	sne.s32 s13, s7  }
.Ltmp1:
0xe: {  	_ = 	snop;
	(pc) =	sbr.rel @!p0 .LBB2_8-.Ltmp1, $4  }
0xf: {  	[hbm4b:s6+s2] =	stream.linear.scatter [tilespmem:s12], [sflag:$0x1], $0x8000, $0x38;
	[tilespmem:$0x10200] =	vst v63  }
0x10: {  	_ =	swait.ge [sflag:s9], $0x8000  }
0x11: {  	[sflag:s9] =	ssyncset.done $0x0  }
0x12: {  	[sflag:s9] =	ssyncadd.s32 $0xFFFF8000  }
.LBB2_1:
0x13: {  	s14 =	simm.s32 $0x40;
	s15 =	simm.s32 $0x0  }
.LBB2_2:
0x14: {  	p0 =	sne.s32 s14, $0x20000;
	[tilespmem:s15+$0x8180] =	vst v1;
	s15 =	smov.u32 s14;
	s14 =	sadd.s32 $0x40, s14  }
.Ltmp2:
0x15: {  	(pc) =	sbr.rel @p0 .LBB2_2-.Ltmp2, $2  }
0x16: {  	_ =	sdelay $0x2  }
0x17: {  	s15 =	sshra.s32 s15, $0x2  }
0x18: {  	[tilespmem:s15+$0x8180] =	vst v1;
	s14 =	simm.s32 $0x0  }
0x19: {  	[tilespmem:s8], [sflag:$0x1] =	stream.linear.gather [hbm4b:s5+s14], $0x180, $0x38;
	[tilespmem:$0x10200] =	vst v63  }
0x1a: {  	_ =	swait.ge [sflag:s9], $0x180  }
0x1b: {  	[sflag:s9] =	ssyncset.done $0x0  }
0x1c: {  	[sflag:s9] =	ssyncadd.s32 $0xFFFFFE80  }
0x1d: {  	v2 =	vld [tilespmem:s10+$0x8000];
	_ =	sdelay $0x4  }
0x1e: {  	(v2sf) =	vpush v2, $0x0  }
0x1f: {  	(v2sf) =	vpush v2, $0x1;
	_ =	sdelay $0xd  }
0x20: {  	s15 =	spop (v2sf)  }
0x21: {  	s16 =	spop (v2sf);
	s17 =	sand.u32 $0xFFFFFFF8, s15  }
0x22: {  	s16 =	ssub.s32 s16, s17  }
0x23: {  	s16 =	sadd.s32 $0x3FFF, s16  }
0x24: {  	s30 =	sand.u32 $0x3FFF, s16  }
0x25: {  	s31 =	sshra.s32 s16, $0x1F;
	p1 =	slt.s32 s16, $0x1;
	p0 =	sne.s32 s30, $0x0  }
0x26: {  	s17 =	sshrl.u32 s31, $0x12;
	p0 =	por !p1, !p0  }
0x27: {  	s16 =	sadd.s32 s17, s16;
	s17 =	simm.s32 $0x1;
	p0 =	por !p0, !p0  }
0x28: {  	s16 =	sshra.s32 s16, $0xE;
	s17 =	simm.s32 @!p0 $0x0  }
0x29: {  	s16 =	ssub.s32 s16, s17  }
0x2a: {  	p0 =	slt.s32 s16, $0x1  }
.Ltmp3:
0x2b: {  	_ = 	snop;
	(pc) =	sbr.rel @p0 .LBB2_7-.Ltmp3, $2  }
0x2c: {  	_ =	sdelay $0x2  }
0x2d: {  	s17 =	simm.s32 $0x0  }
.LBB2_4:
0x2e: {  	s18 =	sshll.u32 s17, $0xE  }
0x2f: {  	s18 =	sadd.s32 s15, s18  }
0x30: {  	s18 =	sshrl.u32 s18, $0x3  }
0x31: {  	s19 =	sadd.s32 s1, s18  }
0x32: {  	[tilespmem:s14], [sflag:$0x1] =	stream.linear.gather [hbm4b:s19+s14], $0x4000, $0x38;
	[tilespmem:$0x10200] =	vst v63  }
0x33: {  	_ =	swait.ge [sflag:s9], $0x4000  }
0x34: {  	[sflag:s9] =	ssyncset.done $0x0  }
0x35: {  	s18 =	sadd.s32 s4, s18;
	[sflag:s9] =	ssyncadd.s32 $0xFFFFC000  }
0x36: {  	[tilespmem:s11], [sflag:$0x1] =	stream.linear.gather [hbm4b:s18+s14], $0x4000, $0x38;
	[tilespmem:$0x10200] =	vst v63  }
0x37: {  	_ =	swait.ge [sflag:s9], $0x4000  }
0x38: {  	[sflag:s9] =	ssyncset.done $0x0  }
0x39: {  	s19 =	simm.s32 $0x0;
	s18 =	simm.s32 $0x40;
	[sflag:s9] =	ssyncadd.s32 $0xFFFFC000  }
.LBB2_5:
0x3a: {  	p0 =	sne.s32 s18, $0xFFC0;
	v2 =	vld [tilespmem:s19+$0x0];
	_ =	sdelay $0x4  }
0x3b: {  	v2 =	vsub.s32 v2, v0  }
0x3c: {  	v2 =	vmin.u32 v2, $0x8000;
	v3 =	vld [tilespmem:s19+$0x4000]  }
.Ltmp4:
0x3d: {  	(pc) =	sbr.rel @p0 .LBB2_5-.Ltmp4, $2  }
0x3e: {  	_ =	sdelay $0x2  }
0x3f: {  	s19 =	sshra.s32 s18, $0x2;
	s18 =	sadd.s32 $0x40, s18;
	[tilespmem:v2+s12+$0x0] =	vst.idx.add.f32.msk $0xffff, v3  }
0x40: {  	v2 =	vld [tilespmem:s19+$0x0];
	_ =	sdelay $0x4  }
0x41: {  	s17 =	sadd.s32 $0x1, s17;
	v2 =	vsub.s32 v2, v0  }
0x42: {  	v3 =	vld [tilespmem:s19+$0x4000];
	p0 =	sne.s32 s17, s16;
	v2 =	vmin.u32 v2, $0x8000  }
.Ltmp5:
0x43: {  	_ = 	snop;
	(pc) =	sbr.rel @p0 .LBB2_4-.Ltmp5, $4  }
.Ltmp6:
0x44: {  	_ = 	snop;
	(pc) =	sbr.rel @!p0 .LBB2_7-.Ltmp6, $4  }
0x45: {  	_ = 	snop  }
0x46: {  	_ = 	snop  }
0x47: {  	[tilespmem:v2+s12+$0x0] =	vst.idx.add.f32.msk $0xffff, v3  }
0x48: {  	_ = 	snop  }
.LBB2_8:
0x49: {  	_ =	sfence.sel $0x180000  }
0x4a: {  	[bflag:$0x0] =	sbarrier.arrive $0xFFFF  }
0x4b: {  	p0 =	sne.s32 s3, $0x0;
	_ =	strace $0x90000047  }
0x4c: {  	s0 =	sadd.s32 @!p0 $0x100000, s0;
	[bflag:$0x2] =	sbarrier.arrive $0xFFFF  }
0x4d: {  	[sflag:s0] =	ssyncadd.tile.s32 @!p0 $0x1;
	_ =	shalt  }
.Lfunc_end2:
_tile_overlayer_lowered:
.L_overlay_start_2:
0x4e: {  	(tag) =	ssettag $0x2  }
0x4f: {  	s0 =	rddreg [dreg:$0x0];
	s2 =	stileid.u32  }
0x50: {  	s1 =	rddreg [dreg:$0x1];
	p0 =	sne.s32 s2, $0x0  }
0x51: {  	s3 =	rddreg [dreg:$0x2];
	[bflag:$0x3] =	sbarrier.arrive $0xFFFF;
	s2 =	simm.s32 @!p0 $0x1C01  }
0x52: {  	[timem:s3], [sflag:s2] =	dma.local @!p0 [hbm:s0], s1  }
0x53: {  	s0 =	simm.s32 @!p0 $0x1  }
0x54: {  	_ =	swait.ge @!p0 [sflag:s0], s1  }
0x55: {  	s1 =	ssub.s32 @!p0 $0x0, s1;
	[sflag:s0] =	ssyncset.done @!p0 $0x0  }
0x56: {  	[sflag:s0] =	ssyncadd.s32 @!p0 s1  }
0x57: {  	[bflag:$0x3] =	sbarrier.arrive $0xFFFF  }
0x58: {  	_ =	shalt  }

</sc_bundles>
